<compile_context>
chip_gen: v7x
topology: tpu7x:2x2x1
jax: 0.10.2.dev20260603
libtpu: 0.0.44.dev20260713+nightly
codegen_flags: <defaults>
</compile_context>

<pallas_src>
import functools

import jax
import jax.numpy as jnp
from jax import lax
from jax.experimental import pallas as pl
from jax.experimental.pallas import tpu as pltpu
from jax.experimental.pallas import tpu_sc as plsc

_EPS = 1e-20
_TA = 2048
_NC = 2
_NS = 16
_NW = _NC * _NS

_g_cache = {}


def _gumbel_const(shape):
    if shape not in _g_cache:
        u = jax.random.uniform(jax.random.key(1), shape, dtype=jnp.float32)
        _g_cache[shape] = -jnp.log(-jnp.log(u + _EPS) + _EPS)
    return _g_cache[shape]


def _trunk_body(state_r, w1_r, b1_r, w2_r, b2_r, h_r):
    h1 = jnp.tanh(
        jnp.dot(state_r[...], w1_r[...],
                preferred_element_type=jnp.float32) + b1_r[...][None, :])
    h_r[...] = jnp.tanh(
        jnp.dot(h1, w2_r[...],
                preferred_element_type=jnp.float32) + b2_r[...][None, :])


def _trunk_call(state, w1, b1, w2, b2):
    bsz = state.shape[0]
    h2 = w2.shape[1]
    return pl.pallas_call(
        _trunk_body,
        out_shape=jax.ShapeDtypeStruct((bsz, h2), jnp.float32),
    )(state, w1, b1, w2, b2)


def _argmax_body(h_r, wa_r, ba_r, g_r, idx_r, m_s, i_s, *, bsz, asz, ta):
    t = pl.program_id(0)

    @pl.when(t == 0)
    def _init():
        m_s[...] = jnp.full((bsz, 1), -jnp.inf, jnp.float32)
        i_s[...] = jnp.zeros((bsz, 1), jnp.int32)

    vals = (jnp.dot(h_r[...], wa_r[...], preferred_element_type=jnp.float32)
            + ba_r[...][None, :] + g_r[...])
    col = t * ta + lax.broadcasted_iota(jnp.int32, (bsz, ta), 1)
    vals = jnp.where(col < asz, vals, -jnp.inf)
    bm = jnp.max(vals, axis=1, keepdims=True)
    bi = jnp.min(jnp.where(vals == bm, col, jnp.int32(2**31 - 1)),
                 axis=1, keepdims=True)
    better = bm > m_s[...]
    i_s[...] = jnp.where(better, bi, i_s[...])
    m_s[...] = jnp.maximum(m_s[...], bm)

    @pl.when(t == pl.num_programs(0) - 1)
    def _fin():
        idx_r[...] = i_s[...]


def _argmax_call(h, wa, ba, g):
    bsz, h2 = h.shape
    asz = wa.shape[1]
    ta = min(_TA, asz)
    nt = -(-asz // ta)
    body = functools.partial(_argmax_body, bsz=bsz, asz=asz, ta=ta)
    return pl.pallas_call(
        body,
        grid=(nt,),
        in_specs=[
            pl.BlockSpec((bsz, h2), lambda i: (0, 0)),
            pl.BlockSpec((h2, ta), lambda i: (0, i)),
            pl.BlockSpec((ta,), lambda i: (i,)),
            pl.BlockSpec((bsz, ta), lambda i: (0, i)),
        ],
        out_specs=pl.BlockSpec((bsz, 1), lambda i: (0, 0)),
        out_shape=jax.ShapeDtypeStruct((bsz, 1), jnp.int32),
        scratch_shapes=[
            pltpu.VMEM((bsz, 1), jnp.float32),
            pltpu.VMEM((bsz, 1), jnp.int32),
        ],
    )(h, wa, ba, g)


def _onehot_sc(idx, bsz, asz):
    rpw = bsz // _NW
    cpr = -(-(asz * 4) // 400000)
    zc = asz // cpr
    assert zc * cpr == asz and zc % 16 == 0 and asz % 8 == 0

    mesh = plsc.VectorSubcoreMesh(core_axis_name="c", subcore_axis_name="s")

    rps = _NS * rpw

    @functools.partial(
        pl.kernel,
        out_type=jax.ShapeDtypeStruct((bsz * asz,), jnp.float32),
        mesh=mesh,
        scratch_types=[
            pltpu.VMEM((zc,), jnp.float32),
            pltpu.VMEM((rps,), jnp.int32),
            pltpu.VMEM((16,), jnp.float32),
            pltpu.SemaphoreType.DMA,
            pltpu.SemaphoreType.DMA,
        ],
    )
    def k(idx_hbm, out_hbm, zbuf, idxv, ones_v, zsem, ssem):
        cid = lax.axis_index("c")
        sid = lax.axis_index("s")
        wid = cid * _NS + sid

        def zstep(i, carry):
            zbuf[pl.ds(i * 16, 16)] = jnp.zeros((16,), jnp.float32)
            return carry
        lax.fori_loop(0, zc // 16, zstep, 0)

        base = wid * (rpw * asz)
        copies = [
            pltpu.async_copy(zbuf, out_hbm.at[pl.ds(base + j * zc, zc)], zsem)
            for j in range(rpw * cpr)
        ]
        for c in copies:
            c.wait()
        plsc.subcore_barrier()

        @pl.when(sid == 0)
        def _scatter():
            pltpu.sync_copy(idx_hbm.at[pl.ds(cid * rps, rps)], idxv)
            ones_v[...] = jnp.full((16,), 1.0, jnp.float32)
            lane = jnp.arange(16, dtype=jnp.int32)
            scs = []
            for kk in range(rps // 16):
                hot = idxv[pl.ds(kk * 16, 16)]
                flat = (cid * rps + kk * 16 + lane) * asz + hot
                scs.append(pltpu.async_copy(ones_v, out_hbm.at[flat], ssem))
            for c in scs:
                c.wait()

    return k(idx)


def kernel(state, W1, b1, W2, b2, Wa, ba, Wb, bb):
    del Wb, bb
    bsz = state.shape[0]
    asz = Wa.shape[1]
    g = _gumbel_const((bsz, asz))
    h = _trunk_call(state, W1, b1, W2, b2)
    idx = _argmax_call(h, Wa, ba, g).reshape(bsz)
    out = _onehot_sc(idx, bsz, asz)
    return out.reshape(bsz, asz)

# --- scband reference (transcript-rebuilt; emitter-appended) ---
"""Pipeline reference for scband-simulation-policy-11398843204160 (READ-ONLY COPY).

The authoritative reference and input builder live on the scoring server;
editing this copy changes nothing except your own understanding.
"""

import jax, jax.numpy as jnp
import numpy as np

B = 128          # batch of states sampled in parallel
S = 1024         # state_size (env.getStateRep one-hot length)
H1 = 1024        # layerSizes[0]
H2 = 1024        # layerSizes[1]
A = 100000       # action_size (len(env.actions)), scaled to production vocab
MBF = 3          # maxBranchingFactor -> branching head has MBF+1 classes
TEMP = 1.0
EPS = 1e-20


def _gumbel(key, shape):
    U = jax.random.uniform(key, shape, dtype=jnp.float32)
    return -jnp.log(-jnp.log(U + EPS) + EPS)


def setup_inputs(seed: int = 0) -> dict:
    key = jax.random.key(seed)
    ks = jax.random.split(key, 10)
    state = jax.random.normal(ks[0], (B, S), dtype=jnp.float32)
    W1 = jax.random.normal(ks[1], (S, H1), dtype=jnp.float32) * 0.02
    b1 = jnp.zeros((H1,), dtype=jnp.float32)
    W2 = jax.random.normal(ks[2], (H1, H2), dtype=jnp.float32) * 0.02
    b2 = jnp.zeros((H2,), dtype=jnp.float32)
    Wa = jax.random.normal(ks[3], (H2, A), dtype=jnp.float32) * 0.02
    ba = jnp.zeros((A,), dtype=jnp.float32)
    Wb = jax.random.normal(ks[4], (H2, MBF + 1), dtype=jnp.float32) * 0.02
    bb = jnp.zeros((MBF + 1,), dtype=jnp.float32)
    return {"state": state, "W1": W1, "b1": b1, "W2": W2, "b2": b2,
            "Wa": Wa, "ba": ba, "Wb": Wb, "bb": bb}


def reference(state, W1, b1, W2, b2, Wa, ba, Wb, bb):
    # MLP trunk (SimulationPolicy layers)
    h = jnp.tanh(state @ W1 + b1)
    h = jnp.tanh(h @ W2 + b2)
    # action head: gumbel_softmax_hard over action logits
    logits = h @ Wa + ba
    g = _gumbel(jax.random.key(1), logits.shape)
    y = jax.nn.softmax((logits + g) / TEMP, axis=-1)
    ind = jnp.argmax(y, axis=-1)
    y_hard = jax.nn.one_hot(ind, A, dtype=y.dtype)
    hard_action = y + jax.lax.stop_gradient(y_hard - y)  # straight-through one-hot
    # branching-breadth head: gumbel_softmax over {0..maxBranchingFactor}, then intvec[argmax]
    blogits = h @ Wb + bb
    gb = _gumbel(jax.random.key(2), blogits.shape)
    yb = jax.nn.softmax((blogits + gb) / TEMP, axis=-1)
    intvec = jnp.arange(MBF + 1, dtype=jnp.int32)
    breadth = jnp.take(intvec, jnp.argmax(yb, axis=-1))
    # return primary sampled one-hot action (hard, straight-through)
    del breadth
    return hard_action

if __name__ == "__main__":
    import jax
    _d = setup_inputs()
    print(jax.jit(kernel)(*tuple(_d.values())))

</pallas_src>

<mosaic_0001>
#map = affine_map<(d0, d1) -> (0)>
module attributes {stable_mosaic.version = 14 : i64} {
  func.func @k(%arg0: i32, %arg1: i32, %arg2: memref<128xi32, #tpu.memory_space<hbm>>, %arg3: memref<12800000xf32, #tpu.memory_space<hbm>>, %arg4: memref<100000xf32, #tpu.memory_space<vmem>>, %arg5: memref<64xi32, #tpu.memory_space<vmem>>, %arg6: memref<16xf32, #tpu.memory_space<vmem>>, %arg7: memref<!tpu.dma_semaphore, #tpu.memory_space<semaphore_mem>>, %arg8: memref<!tpu.dma_semaphore, #tpu.memory_space<semaphore_mem>>) attributes {dimension_semantics = [#tpu.dimension_semantics<core_parallel>, #tpu.dimension_semantics<subcore_parallel>], iteration_bounds = array<i64: 2, 16>, scalar_prefetch = 0 : i64, scratch_operands = 5 : i64, tpu.core_type = #tpu.core_type<sc_vector_subcore>, window_params = [{transform_indices = #map}, {transform_indices = #map}]} {
    %mul3A = arith.constant 16 : i32
    %mul3A_0 = arith.muli %arg0, %mul3A : i32
    %add3A = arith.addi %mul3A_0, %arg1 : i32
    %scan3A = arith.constant 0 : i32
    %scan3A_1 = arith.constant 0 : i32
    %scan3A_2 = arith.constant 6250 : i32
    %scan3A_3 = arith.addi %scan3A_1, %scan3A_2 : i32
    %scan3A_4 = arith.constant 1 : i32
    scf.for %scan3A_32 = %scan3A_1 to %scan3A_3 step %scan3A_4  : i32 {
      %broadcast_in_dim3A = arith.constant 0.000000e+00 : f32
      %broadcast_in_dim3A_33 = vector.broadcast %broadcast_in_dim3A : f32 to vector<16xf32>
      %mul3A_34 = arith.constant 16 : i32
      %mul3A_35 = arith.muli %scan3A_32, %mul3A_34 : i32
      %swap3A = arith.index_cast %mul3A_35 : i32 to index
      %swap3A_36 = tpu.vector_load %arg4[%swap3A] {strides = array<i32>} : memref<100000xf32, #tpu.memory_space<vmem>>, vector<16xf32>,
      %swap3A_37 = vector.shape_cast %swap3A_36 : vector<16xf32> to vector<16xf32>
      %swap3A_38 = vector.shape_cast %broadcast_in_dim3A_33 : vector<16xf32> to vector<16xf32>
      tpu.vector_store %arg4[%swap3A], %swap3A_38 {strides = array<i32>} : memref<100000xf32, #tpu.memory_space<vmem>>, vector<16xf32>,
    }
    %scan3A_5 = arith.constant 6250 : i32
    %mul3A_6 = arith.constant 400000 : i32
    %mul3A_7 = arith.muli %add3A, %mul3A_6 : i32
    %add3A_8 = arith.constant 0 : i32
    %add3A_9 = arith.addi %mul3A_7, %add3A_8 : i32
    %dma_start3A = tpu.memref_slice %arg3[%add3A_9] : memref<12800000xf32, #tpu.memory_space<hbm>> -> memref<100000xf32, #tpu.memory_space<hbm>>
    %dma_start3A_10 = tpu.memref_slice %arg3[%add3A_9] : memref<12800000xf32, #tpu.memory_space<hbm>> -> memref<100000xf32, #tpu.memory_space<hbm>>
    tpu.enqueue_dma source(%arg4 : memref<100000xf32, #tpu.memory_space<vmem>>) target(%dma_start3A_10 : memref<100000xf32, #tpu.memory_space<hbm>>) target_semaphore(%arg7 : memref<!tpu.dma_semaphore, #tpu.memory_space<semaphore_mem>>)
    %add3A_11 = arith.constant 100000 : i32
    %add3A_12 = arith.addi %mul3A_7, %add3A_11 : i32
    %dma_start3A_13 = tpu.memref_slice %arg3[%add3A_12] : memref<12800000xf32, #tpu.memory_space<hbm>> -> memref<100000xf32, #tpu.memory_space<hbm>>
    %dma_start3A_14 = tpu.memref_slice %arg3[%add3A_12] : memref<12800000xf32, #tpu.memory_space<hbm>> -> memref<100000xf32, #tpu.memory_space<hbm>>
    tpu.enqueue_dma source(%arg4 : memref<100000xf32, #tpu.memory_space<vmem>>) target(%dma_start3A_14 : memref<100000xf32, #tpu.memory_space<hbm>>) target_semaphore(%arg7 : memref<!tpu.dma_semaphore, #tpu.memory_space<semaphore_mem>>)
    %add3A_15 = arith.constant 200000 : i32
    %add3A_16 = arith.addi %mul3A_7, %add3A_15 : i32
    %dma_start3A_17 = tpu.memref_slice %arg3[%add3A_16] : memref<12800000xf32, #tpu.memory_space<hbm>> -> memref<100000xf32, #tpu.memory_space<hbm>>
    %dma_start3A_18 = tpu.memref_slice %arg3[%add3A_16] : memref<12800000xf32, #tpu.memory_space<hbm>> -> memref<100000xf32, #tpu.memory_space<hbm>>
    tpu.enqueue_dma source(%arg4 : memref<100000xf32, #tpu.memory_space<vmem>>) target(%dma_start3A_18 : memref<100000xf32, #tpu.memory_space<hbm>>) target_semaphore(%arg7 : memref<!tpu.dma_semaphore, #tpu.memory_space<semaphore_mem>>)
    %add3A_19 = arith.constant 300000 : i32
    %add3A_20 = arith.addi %mul3A_7, %add3A_19 : i32
    %dma_start3A_21 = tpu.memref_slice %arg3[%add3A_20] : memref<12800000xf32, #tpu.memory_space<hbm>> -> memref<100000xf32, #tpu.memory_space<hbm>>
    %dma_start3A_22 = tpu.memref_slice %arg3[%add3A_20] : memref<12800000xf32, #tpu.memory_space<hbm>> -> memref<100000xf32, #tpu.memory_space<hbm>>
    tpu.enqueue_dma source(%arg4 : memref<100000xf32, #tpu.memory_space<vmem>>) target(%dma_start3A_22 : memref<100000xf32, #tpu.memory_space<hbm>>) target_semaphore(%arg7 : memref<!tpu.dma_semaphore, #tpu.memory_space<semaphore_mem>>)
    %dma_wait3A = tpu.memref_slice %arg3[%add3A_9] : memref<12800000xf32, #tpu.memory_space<hbm>> -> memref<100000xf32, #tpu.memory_space<hbm>>
    %dma_wait3A_23 = tpu.memref_slice %arg3[%add3A_9] : memref<12800000xf32, #tpu.memory_space<hbm>> -> memref<100000xf32, #tpu.memory_space<hbm>>
    tpu.wait_dma2 semaphore(%arg7 : memref<!tpu.dma_semaphore, #tpu.memory_space<semaphore_mem>>) src(%arg4 : memref<100000xf32, #tpu.memory_space<vmem>>) dst(%dma_wait3A_23 : memref<100000xf32, #tpu.memory_space<hbm>>)
    %dma_wait3A_24 = tpu.memref_slice %arg3[%add3A_12] : memref<12800000xf32, #tpu.memory_space<hbm>> -> memref<100000xf32, #tpu.memory_space<hbm>>
    %dma_wait3A_25 = tpu.memref_slice %arg3[%add3A_12] : memref<12800000xf32, #tpu.memory_space<hbm>> -> memref<100000xf32, #tpu.memory_space<hbm>>
    tpu.wait_dma2 semaphore(%arg7 : memref<!tpu.dma_semaphore, #tpu.memory_space<semaphore_mem>>) src(%arg4 : memref<100000xf32, #tpu.memory_space<vmem>>) dst(%dma_wait3A_25 : memref<100000xf32, #tpu.memory_space<hbm>>)
    %dma_wait3A_26 = tpu.memref_slice %arg3[%add3A_16] : memref<12800000xf32, #tpu.memory_space<hbm>> -> memref<100000xf32, #tpu.memory_space<hbm>>
    %dma_wait3A_27 = tpu.memref_slice %arg3[%add3A_16] : memref<12800000xf32, #tpu.memory_space<hbm>> -> memref<100000xf32, #tpu.memory_space<hbm>>
    tpu.wait_dma2 semaphore(%arg7 : memref<!tpu.dma_semaphore, #tpu.memory_space<semaphore_mem>>) src(%arg4 : memref<100000xf32, #tpu.memory_space<vmem>>) dst(%dma_wait3A_27 : memref<100000xf32, #tpu.memory_space<hbm>>)
    %dma_wait3A_28 = tpu.memref_slice %arg3[%add3A_20] : memref<12800000xf32, #tpu.memory_space<hbm>> -> memref<100000xf32, #tpu.memory_space<hbm>>
    %dma_wait3A_29 = tpu.memref_slice %arg3[%add3A_20] : memref<12800000xf32, #tpu.memory_space<hbm>> -> memref<100000xf32, #tpu.memory_space<hbm>>
    tpu.wait_dma2 semaphore(%arg7 : memref<!tpu.dma_semaphore, #tpu.memory_space<semaphore_mem>>) src(%arg4 : memref<100000xf32, #tpu.memory_space<vmem>>) dst(%dma_wait3A_29 : memref<100000xf32, #tpu.memory_space<hbm>>)
    %barrier3A = arith.constant 0 : index
    tpu.barrier barrier_id(%barrier3A)
    %eq3A = arith.constant 0 : i32
    %eq3A_30 = arith.cmpi eq, %arg1, %eq3A : i32
    %convert_element_type3A = arith.extui %eq3A_30 : i1 to i32
    %cond3A = arith.constant 0 : i32
    %cond3A_31 = arith.cmpi ne, %convert_element_type3A, %cond3A : i32
    scf.if %cond3A_31 {
      %mul3A_32 = arith.constant 64 : i32
      %mul3A_33 = arith.muli %arg0, %mul3A_32 : i32
      "tpu.region"() ({
        %run_scoped3A = tpu.sem_alloc : memref<!tpu.dma_semaphore, #tpu.memory_space<semaphore_mem>>
        %dma_start3A_105 = tpu.memref_slice %arg2[%mul3A_33] : memref<128xi32, #tpu.memory_space<hbm>> -> memref<64xi32, #tpu.memory_space<hbm>>
        %dma_start3A_106 = tpu.memref_slice %arg2[%mul3A_33] : memref<128xi32, #tpu.memory_space<hbm>> -> memref<64xi32, #tpu.memory_space<hbm>>
        tpu.enqueue_dma source(%dma_start3A_106 : memref<64xi32, #tpu.memory_space<hbm>>) target(%arg5 : memref<64xi32, #tpu.memory_space<vmem>>) target_semaphore(%run_scoped3A : memref<!tpu.dma_semaphore, #tpu.memory_space<semaphore_mem>>)
        %dma_wait3A_107 = tpu.memref_slice %arg2[%mul3A_33] : memref<128xi32, #tpu.memory_space<hbm>> -> memref<64xi32, #tpu.memory_space<hbm>>
        %dma_wait3A_108 = tpu.memref_slice %arg2[%mul3A_33] : memref<128xi32, #tpu.memory_space<hbm>> -> memref<64xi32, #tpu.memory_space<hbm>>
        tpu.wait_dma2 semaphore(%run_scoped3A : memref<!tpu.dma_semaphore, #tpu.memory_space<semaphore_mem>>) src(%dma_wait3A_108 : memref<64xi32, #tpu.memory_space<hbm>>) dst(%arg5 : memref<64xi32, #tpu.memory_space<vmem>>)
        tpu.yield
      }) : () -> ()
      %broadcast_in_dim3A = arith.constant 1.000000e+00 : f32
      %broadcast_in_dim3A_34 = vector.broadcast %broadcast_in_dim3A : f32 to vector<16xf32>
      %swap3A = arith.constant 0 : index
      %swap3A_35 = tpu.vector_load %arg6[%swap3A] {strides = array<i32>} : memref<16xf32, #tpu.memory_space<vmem>>, vector<16xf32>,
      %swap3A_36 = vector.shape_cast %swap3A_35 : vector<16xf32> to vector<16xf32>
      %swap3A_37 = vector.shape_cast %broadcast_in_dim3A_34 : vector<16xf32> to vector<16xf32>
      tpu.vector_store %arg6[%swap3A], %swap3A_37 {strides = array<i32>} : memref<16xf32, #tpu.memory_space<vmem>>, vector<16xf32>,
      %iota3A = tpu.iota {dimensions = array<i32: 0>} : vector<16xi32>
      %get3A = arith.constant 0 : index
      %get3A_38 = tpu.vector_load %arg5[%get3A] {strides = array<i32>} : memref<64xi32, #tpu.memory_space<vmem>>, vector<16xi32>,
      %get3A_39 = vector.shape_cast %get3A_38 : vector<16xi32> to vector<16xi32>
      %mul3A_40 = arith.constant 64 : i32
      %mul3A_41 = arith.muli %arg0, %mul3A_40 : i32
      %add3A_42 = arith.constant 0 : i32
      %add3A_43 = arith.addi %mul3A_41, %add3A_42 : i32
      %add3A_44 = vector.broadcast %add3A_43 : i32 to vector<16xi32>
      %add3A_45 = arith.addi %add3A_44, %iota3A : vector<16xi32>
      %mul3A_46 = arith.constant 100000 : i32
      %mul3A_47 = vector.broadcast %mul3A_46 : i32 to vector<16xi32>
      %mul3A_48 = arith.muli %add3A_45, %mul3A_47 : vector<16xi32>
      %add3A_49 = arith.addi %mul3A_48, %get3A_39 : vector<16xi32>
      %dma_start3A_50 = arith.constant 0 : i32
      %dma_start3A_51 = tpu.memref_slice %arg3[%dma_start3A_50] : memref<12800000xf32, #tpu.memory_space<hbm>> -> memref<12800000xf32, #tpu.memory_space<hbm>>
      tpu.enqueue_indirect_dma source(%arg6 : memref<16xf32, #tpu.memory_space<vmem>>) target(%dma_start3A_51 : memref<12800000xf32, #tpu.memory_space<hbm>>) offsets(%add3A_49 : vector<16xi32>) semaphore(%arg8 : memref<!tpu.dma_semaphore, #tpu.memory_space<semaphore_mem>>)
      %get3A_52 = arith.constant 16 : index
      %get3A_53 = tpu.vector_load %arg5[%get3A_52] {strides = array<i32>} : memref<64xi32, #tpu.memory_space<vmem>>, vector<16xi32>,
      %get3A_54 = vector.shape_cast %get3A_53 : vector<16xi32> to vector<16xi32>
      %mul3A_55 = arith.constant 64 : i32
      %mul3A_56 = arith.muli %arg0, %mul3A_55 : i32
      %add3A_57 = arith.constant 16 : i32
      %add3A_58 = arith.addi %mul3A_56, %add3A_57 : i32
      %add3A_59 = vector.broadcast %add3A_58 : i32 to vector<16xi32>
      %add3A_60 = arith.addi %add3A_59, %iota3A : vector<16xi32>
      %mul3A_61 = arith.constant 100000 : i32
      %mul3A_62 = vector.broadcast %mul3A_61 : i32 to vector<16xi32>
      %mul3A_63 = arith.muli %add3A_60, %mul3A_62 : vector<16xi32>
      %add3A_64 = arith.addi %mul3A_63, %get3A_54 : vector<16xi32>
      %dma_start3A_65 = arith.constant 0 : i32
      %dma_start3A_66 = tpu.memref_slice %arg3[%dma_start3A_65] : memref<12800000xf32, #tpu.memory_space<hbm>> -> memref<12800000xf32, #tpu.memory_space<hbm>>
      tpu.enqueue_indirect_dma source(%arg6 : memref<16xf32, #tpu.memory_space<vmem>>) target(%dma_start3A_66 : memref<12800000xf32, #tpu.memory_space<hbm>>) offsets(%add3A_64 : vector<16xi32>) semaphore(%arg8 : memref<!tpu.dma_semaphore, #tpu.memory_space<semaphore_mem>>)
      %get3A_67 = arith.constant 32 : index
      %get3A_68 = tpu.vector_load %arg5[%get3A_67] {strides = array<i32>} : memref<64xi32, #tpu.memory_space<vmem>>, vector<16xi32>,
      %get3A_69 = vector.shape_cast %get3A_68 : vector<16xi32> to vector<16xi32>
      %mul3A_70 = arith.constant 64 : i32
      %mul3A_71 = arith.muli %arg0, %mul3A_70 : i32
      %add3A_72 = arith.constant 32 : i32
      %add3A_73 = arith.addi %mul3A_71, %add3A_72 : i32
      %add3A_74 = vector.broadcast %add3A_73 : i32 to vector<16xi32>
      %add3A_75 = arith.addi %add3A_74, %iota3A : vector<16xi32>
      %mul3A_76 = arith.constant 100000 : i32
      %mul3A_77 = vector.broadcast %mul3A_76 : i32 to vector<16xi32>
      %mul3A_78 = arith.muli %add3A_75, %mul3A_77 : vector<16xi32>
      %add3A_79 = arith.addi %mul3A_78, %get3A_69 : vector<16xi32>
      %dma_start3A_80 = arith.constant 0 : i32
      %dma_start3A_81 = tpu.memref_slice %arg3[%dma_start3A_80] : memref<12800000xf32, #tpu.memory_space<hbm>> -> memref<12800000xf32, #tpu.memory_space<hbm>>
      tpu.enqueue_indirect_dma source(%arg6 : memref<16xf32, #tpu.memory_space<vmem>>) target(%dma_start3A_81 : memref<12800000xf32, #tpu.memory_space<hbm>>) offsets(%add3A_79 : vector<16xi32>) semaphore(%arg8 : memref<!tpu.dma_semaphore, #tpu.memory_space<semaphore_mem>>)
      %get3A_82 = arith.constant 48 : index
      %get3A_83 = tpu.vector_load %arg5[%get3A_82] {strides = array<i32>} : memref<64xi32, #tpu.memory_space<vmem>>, vector<16xi32>,
      %get3A_84 = vector.shape_cast %get3A_83 : vector<16xi32> to vector<16xi32>
      %mul3A_85 = arith.constant 64 : i32
      %mul3A_86 = arith.muli %arg0, %mul3A_85 : i32
      %add3A_87 = arith.constant 48 : i32
      %add3A_88 = arith.addi %mul3A_86, %add3A_87 : i32
      %add3A_89 = vector.broadcast %add3A_88 : i32 to vector<16xi32>
      %add3A_90 = arith.addi %add3A_89, %iota3A : vector<16xi32>
      %mul3A_91 = arith.constant 100000 : i32
      %mul3A_92 = vector.broadcast %mul3A_91 : i32 to vector<16xi32>
      %mul3A_93 = arith.muli %add3A_90, %mul3A_92 : vector<16xi32>
      %add3A_94 = arith.addi %mul3A_93, %get3A_84 : vector<16xi32>
      %dma_start3A_95 = arith.constant 0 : i32
      %dma_start3A_96 = tpu.memref_slice %arg3[%dma_start3A_95] : memref<12800000xf32, #tpu.memory_space<hbm>> -> memref<12800000xf32, #tpu.memory_space<hbm>>
      tpu.enqueue_indirect_dma source(%arg6 : memref<16xf32, #tpu.memory_space<vmem>>) target(%dma_start3A_96 : memref<12800000xf32, #tpu.memory_space<hbm>>) offsets(%add3A_94 : vector<16xi32>) semaphore(%arg8 : memref<!tpu.dma_semaphore, #tpu.memory_space<semaphore_mem>>)
      %dma_wait3A_97 = arith.constant 0 : i32
      %dma_wait3A_98 = tpu.memref_slice %arg3[%dma_wait3A_97] : memref<12800000xf32, #tpu.memory_space<hbm>> -> memref<12800000xf32, #tpu.memory_space<hbm>>
      tpu.wait_indirect_dma semaphore(%arg8 : memref<!tpu.dma_semaphore, #tpu.memory_space<semaphore_mem>>) src(%arg6 : memref<16xf32, #tpu.memory_space<vmem>>) dst(%dma_wait3A_98 : memref<12800000xf32, #tpu.memory_space<hbm>>)
      %dma_wait3A_99 = arith.constant 0 : i32
      %dma_wait3A_100 = tpu.memref_slice %arg3[%dma_wait3A_99] : memref<12800000xf32, #tpu.memory_space<hbm>> -> memref<12800000xf32, #tpu.memory_space<hbm>>
      tpu.wait_indirect_dma semaphore(%arg8 : memref<!tpu.dma_semaphore, #tpu.memory_space<semaphore_mem>>) src(%arg6 : memref<16xf32, #tpu.memory_space<vmem>>) dst(%dma_wait3A_100 : memref<12800000xf32, #tpu.memory_space<hbm>>)
      %dma_wait3A_101 = arith.constant 0 : i32
      %dma_wait3A_102 = tpu.memref_slice %arg3[%dma_wait3A_101] : memref<12800000xf32, #tpu.memory_space<hbm>> -> memref<12800000xf32, #tpu.memory_space<hbm>>
      tpu.wait_indirect_dma semaphore(%arg8 : memref<!tpu.dma_semaphore, #tpu.memory_space<semaphore_mem>>) src(%arg6 : memref<16xf32, #tpu.memory_space<vmem>>) dst(%dma_wait3A_102 : memref<12800000xf32, #tpu.memory_space<hbm>>)
      %dma_wait3A_103 = arith.constant 0 : i32
      %dma_wait3A_104 = tpu.memref_slice %arg3[%dma_wait3A_103] : memref<12800000xf32, #tpu.memory_space<hbm>> -> memref<12800000xf32, #tpu.memory_space<hbm>>
      tpu.wait_indirect_dma semaphore(%arg8 : memref<!tpu.dma_semaphore, #tpu.memory_space<semaphore_mem>>) src(%arg6 : memref<16xf32, #tpu.memory_space<vmem>>) dst(%dma_wait3A_104 : memref<12800000xf32, #tpu.memory_space<hbm>>)
    } else {
    }
    return
  }
}

module attributes {stable_mosaic.version = 14 : i64} {
  func.func @_trunk_body(%arg0: memref<128x1024xf32, #tpu.memory_space<vmem>>, %arg1: memref<1024x1024xf32, #tpu.memory_space<vmem>>, %arg2: memref<1024xf32, #tpu.memory_space<vmem>>, %arg3: memref<1024x1024xf32, #tpu.memory_space<vmem>>, %arg4: memref<1024xf32, #tpu.memory_space<vmem>>, %arg5: memref<128x1024xf32, #tpu.memory_space<vmem>>) attributes {dimension_semantics = [], scalar_prefetch = 0 : i64, scratch_operands = 0 : i64, tpu.core_type = #tpu.core_type<tc>} {
    %get3A = arith.constant 0 : index
    %get3A_0 = arith.constant 0 : index
    %get3A_1 = vector.load %arg0[%get3A, %get3A_0] : memref<128x1024xf32, #tpu.memory_space<vmem>>, vector<128x1024xf32>
    %get3A_2 = arith.constant 0 : index
    %get3A_3 = arith.constant 0 : index
    %get3A_4 = vector.load %arg1[%get3A_2, %get3A_3] : memref<1024x1024xf32, #tpu.memory_space<vmem>>, vector<1024x1024xf32>
    %dot_general3A = arith.constant dense<0.000000e+00> : vector<128x1024xf32>
    %dot_general3A_5 = tpu.matmul %get3A_1, %get3A_4, %dot_general3A {dimension_numbers = #tpu.dot_dimension_numbers<[1], [0], [0], [1], [0, 0, 1, 1], [], []>, transpose_lhs_hint = false} : vector<128x1024xf32>, vector<1024x1024xf32>, vector<128x1024xf32> -> vector<128x1024xf32>
    %get3A_6 = arith.constant 0 : index
    %get3A_7 = vector.load %arg2[%get3A_6] : memref<1024xf32, #tpu.memory_space<vmem>>, vector<1024xf32>
    %broadcast_in_dim3A = vector.shape_cast %get3A_7 : vector<1024xf32> to vector<1x1024xf32>
    %add3A = vector.broadcast %broadcast_in_dim3A : vector<1x1024xf32> to vector<128x1024xf32>
    %add3A_8 = arith.addf %dot_general3A_5, %add3A : vector<128x1024xf32>
    %tanh3A = math.tanh %add3A_8 : vector<128x1024xf32>
    %get3A_9 = arith.constant 0 : index
    %get3A_10 = arith.constant 0 : index
    %get3A_11 = vector.load %arg3[%get3A_9, %get3A_10] : memref<1024x1024xf32, #tpu.memory_space<vmem>>, vector<1024x1024xf32>
    %dot_general3A_12 = arith.constant dense<0.000000e+00> : vector<128x1024xf32>
    %dot_general3A_13 = tpu.matmul %tanh3A, %get3A_11, %dot_general3A_12 {dimension_numbers = #tpu.dot_dimension_numbers<[1], [0], [0], [1], [0, 0, 1, 1], [], []>, transpose_lhs_hint = false} : vector<128x1024xf32>, vector<1024x1024xf32>, vector<128x1024xf32> -> vector<128x1024xf32>
    %get3A_14 = arith.constant 0 : index
    %get3A_15 = vector.load %arg4[%get3A_14] : memref<1024xf32, #tpu.memory_space<vmem>>, vector<1024xf32>
    %broadcast_in_dim3A_16 = vector.shape_cast %get3A_15 : vector<1024xf32> to vector<1x1024xf32>
    %add3A_17 = vector.broadcast %broadcast_in_dim3A_16 : vector<1x1024xf32> to vector<128x1024xf32>
    %add3A_18 = arith.addf %dot_general3A_13, %add3A_17 : vector<128x1024xf32>
    %tanh3A_19 = math.tanh %add3A_18 : vector<128x1024xf32>
    %swap3A = arith.constant 0 : index
    %swap3A_20 = arith.constant 0 : index
    %swap3A_21 = vector.load %arg5[%swap3A, %swap3A_20] : memref<128x1024xf32, #tpu.memory_space<vmem>>, vector<128x1024xf32>
    tpu.vector_store %arg5[%swap3A, %swap3A_20], %tanh3A_19 {strides = array<i32>} : memref<128x1024xf32, #tpu.memory_space<vmem>>, vector<128x1024xf32>,
    return
  }
}

module attributes {stable_mosaic.version = 14 : i64} {
  func.func @_argmax_body(%arg0: i32, %arg1: memref<128x1024xf32, #tpu.memory_space<vmem>>, %arg2: memref<1024x2048xf32, #tpu.memory_space<vmem>>, %arg3: memref<2048xf32, #tpu.memory_space<vmem>>, %arg4: memref<128x2048xf32, #tpu.memory_space<vmem>>, %arg5: memref<128x1xi32, #tpu.memory_space<vmem>>, %arg6: memref<128x1xf32, #tpu.memory_space<vmem>>, %arg7: memref<128x1xi32, #tpu.memory_space<vmem>>) attributes {dimension_semantics = [#tpu.dimension_semantics<arbitrary>], iteration_bounds = array<i64: 49>, scalar_prefetch = 0 : i64, scratch_operands = 2 : i64, tpu.core_type = #tpu.core_type<tc>, window_params = [{pipeline_mode = #tpu.pipeline_mode<synchronous>, transform_indices = @transform_0, window_bounds = array<i64: 128, 1024>}, {transform_indices = @transform_1, window_bounds = array<i64: 1024, 2048>}, {transform_indices = @transform_2, window_bounds = array<i64: 2048>}, {transform_indices = @transform_3, window_bounds = array<i64: 128, 2048>}, {pipeline_mode = #tpu.pipeline_mode<synchronous>, transform_indices = @transform_4, window_bounds = array<i64: 128, 1>}]} {
    %eq3A = arith.constant 0 : i32
    %eq3A_0 = arith.cmpi eq, %arg0, %eq3A : i32
    %convert_element_type3A = arith.extui %eq3A_0 : i1 to i32
    %cond3A = arith.constant 0 : i32
    %cond3A_1 = arith.cmpi ne, %convert_element_type3A, %cond3A : i32
    scf.if %cond3A_1 {
      %broadcast_in_dim3A_50 = arith.constant 0xFF800000 : f32
      %broadcast_in_dim3A_51 = vector.broadcast %broadcast_in_dim3A_50 : f32 to vector<128x1xf32>
      %swap3A_52 = arith.constant 0 : index
      %swap3A_53 = arith.constant 0 : index
      %swap3A_54 = vector.load %arg6[%swap3A_52, %swap3A_53] : memref<128x1xf32, #tpu.memory_space<vmem>>, vector<128x1xf32>
      tpu.vector_store %arg6[%swap3A_52, %swap3A_53], %broadcast_in_dim3A_51 {strides = array<i32>} : memref<128x1xf32, #tpu.memory_space<vmem>>, vector<128x1xf32>,
      %broadcast_in_dim3A_55 = arith.constant 0 : i32
      %broadcast_in_dim3A_56 = vector.broadcast %broadcast_in_dim3A_55 : i32 to vector<128x1xi32>
      %swap3A_57 = arith.constant 0 : index
      %swap3A_58 = arith.constant 0 : index
      %swap3A_59 = vector.load %arg7[%swap3A_57, %swap3A_58] : memref<128x1xi32, #tpu.memory_space<vmem>>, vector<128x1xi32>
      tpu.vector_store %arg7[%swap3A_57, %swap3A_58], %broadcast_in_dim3A_56 {strides = array<i32>} : memref<128x1xi32, #tpu.memory_space<vmem>>, vector<128x1xi32>,
    } else {
    }
    %get3A = arith.constant 0 : index
    %get3A_2 = arith.constant 0 : index
    %get3A_3 = vector.load %arg1[%get3A, %get3A_2] : memref<128x1024xf32, #tpu.memory_space<vmem>>, vector<128x1024xf32>
    %get3A_4 = arith.constant 0 : index
    %get3A_5 = arith.constant 0 : index
    %get3A_6 = vector.load %arg2[%get3A_4, %get3A_5] : memref<1024x2048xf32, #tpu.memory_space<vmem>>, vector<1024x2048xf32>
    %dot_general3A = arith.constant dense<0.000000e+00> : vector<128x2048xf32>
    %dot_general3A_7 = tpu.matmul %get3A_3, %get3A_6, %dot_general3A {dimension_numbers = #tpu.dot_dimension_numbers<[1], [0], [0], [1], [0, 0, 1, 1], [], []>, transpose_lhs_hint = false} : vector<128x1024xf32>, vector<1024x2048xf32>, vector<128x2048xf32> -> vector<128x2048xf32>
    %get3A_8 = arith.constant 0 : index
    %get3A_9 = vector.load %arg3[%get3A_8] : memref<2048xf32, #tpu.memory_space<vmem>>, vector<2048xf32>
    %broadcast_in_dim3A = vector.shape_cast %get3A_9 : vector<2048xf32> to vector<1x2048xf32>
    %add3A = vector.broadcast %broadcast_in_dim3A : vector<1x2048xf32> to vector<128x2048xf32>
    %add3A_10 = arith.addf %dot_general3A_7, %add3A : vector<128x2048xf32>
    %get3A_11 = arith.constant 0 : index
    %get3A_12 = arith.constant 0 : index
    %get3A_13 = vector.load %arg4[%get3A_11, %get3A_12] : memref<128x2048xf32, #tpu.memory_space<vmem>>, vector<128x2048xf32>
    %add3A_14 = arith.addf %add3A_10, %get3A_13 : vector<128x2048xf32>
    %mul3A = arith.constant 2048 : i32
    %mul3A_15 = arith.muli %arg0, %mul3A : i32
    %iota3A = tpu.iota {dimensions = array<i32: 1>} : vector<128x2048xi32>
    %add3A_16 = vector.broadcast %mul3A_15 : i32 to vector<128x2048xi32>
    %add3A_17 = arith.addi %add3A_16, %iota3A : vector<128x2048xi32>
    %lt3A = arith.constant 100000 : i32
    %lt3A_18 = vector.broadcast %lt3A : i32 to vector<128x2048xi32>
    %lt3A_19 = arith.cmpi slt, %add3A_17, %lt3A_18 : vector<128x2048xi32>
    %jit3A = arith.constant 0xFF800000 : f32
    %broadcast_in_dim3A_20 = vector.broadcast %jit3A : f32 to vector<128x2048xf32>
    %select_n3A = arith.select %lt3A_19, %add3A_14, %broadcast_in_dim3A_20 : vector<128x2048xi1>, vector<128x2048xf32>
    %reduce_max3A = arith.constant dense<0xFF800000> : vector<128xf32>
    %reduce_max3A_21 = vector.multi_reduction <maximumf>, %select_n3A, %reduce_max3A [1] : vector<128x2048xf32> to vector<128xf32>
    %broadcast_in_dim3A_22 = vector.shape_cast %reduce_max3A_21 : vector<128xf32> to vector<128x1xf32>
    %eq3A_23 = vector.broadcast %broadcast_in_dim3A_22 : vector<128x1xf32> to vector<128x2048xf32>
    %eq3A_24 = arith.cmpf oeq, %select_n3A, %eq3A_23 : vector<128x2048xf32>
    %jit3A_25 = arith.constant 2147483647 : i32
    %broadcast_in_dim3A_26 = vector.broadcast %jit3A_25 : i32 to vector<128x2048xi32>
    %select_n3A_27 = arith.select %eq3A_24, %add3A_17, %broadcast_in_dim3A_26 : vector<128x2048xi1>, vector<128x2048xi32>
    %reduce_min3A = arith.constant dense<2147483647> : vector<128xi32>
    %reduce_min3A_28 = vector.multi_reduction <minsi>, %select_n3A_27, %reduce_min3A [1] : vector<128x2048xi32> to vector<128xi32>
    %broadcast_in_dim3A_29 = vector.shape_cast %reduce_min3A_28 : vector<128xi32> to vector<128x1xi32>
    %get3A_30 = arith.constant 0 : index
    %get3A_31 = arith.constant 0 : index
    %get3A_32 = vector.load %arg6[%get3A_30, %get3A_31] : memref<128x1xf32, #tpu.memory_space<vmem>>, vector<128x1xf32>
    %gt3A = arith.cmpf ogt, %broadcast_in_dim3A_22, %get3A_32 : vector<128x1xf32>
    %get3A_33 = arith.constant 0 : index
    %get3A_34 = arith.constant 0 : index
    %get3A_35 = vector.load %arg7[%get3A_33, %get3A_34] : memref<128x1xi32, #tpu.memory_space<vmem>>, vector<128x1xi32>
    %select_n3A_36 = arith.select %gt3A, %broadcast_in_dim3A_29, %get3A_35 : vector<128x1xi1>, vector<128x1xi32>
    %swap3A = arith.constant 0 : index
    %swap3A_37 = arith.constant 0 : index
    %swap3A_38 = vector.load %arg7[%swap3A, %swap3A_37] : memref<128x1xi32, #tpu.memory_space<vmem>>, vector<128x1xi32>
    tpu.vector_store %arg7[%swap3A, %swap3A_37], %select_n3A_36 {strides = array<i32>} : memref<128x1xi32, #tpu.memory_space<vmem>>, vector<128x1xi32>,
    %get3A_39 = arith.constant 0 : index
    %get3A_40 = arith.constant 0 : index
    %get3A_41 = vector.load %arg6[%get3A_39, %get3A_40] : memref<128x1xf32, #tpu.memory_space<vmem>>, vector<128x1xf32>
    %max3A = arith.maximumf %get3A_41, %broadcast_in_dim3A_22 : vector<128x1xf32>
    %swap3A_42 = arith.constant 0 : index
    %swap3A_43 = arith.constant 0 : index
    %swap3A_44 = vector.load %arg6[%swap3A_42, %swap3A_43] : memref<128x1xf32, #tpu.memory_space<vmem>>, vector<128x1xf32>
    tpu.vector_store %arg6[%swap3A_42, %swap3A_43], %max3A {strides = array<i32>} : memref<128x1xf32, #tpu.memory_space<vmem>>, vector<128x1xf32>,
    %eq3A_45 = arith.constant 48 : i32
    %eq3A_46 = arith.cmpi eq, %arg0, %eq3A_45 : i32
    %convert_element_type3A_47 = arith.extui %eq3A_46 : i1 to i32
    %cond3A_48 = arith.constant 0 : i32
    %cond3A_49 = arith.cmpi ne, %convert_element_type3A_47, %cond3A_48 : i32
    scf.if %cond3A_49 {
      %get3A_50 = arith.constant 0 : index
      %get3A_51 = arith.constant 0 : index
      %get3A_52 = vector.load %arg7[%get3A_50, %get3A_51] : memref<128x1xi32, #tpu.memory_space<vmem>>, vector<128x1xi32>
      %swap3A_53 = arith.constant 0 : index
      %swap3A_54 = arith.constant 0 : index
      %swap3A_55 = vector.load %arg5[%swap3A_53, %swap3A_54] : memref<128x1xi32, #tpu.memory_space<vmem>>, vector<128x1xi32>
      tpu.vector_store %arg5[%swap3A_53, %swap3A_54], %get3A_52 {strides = array<i32>} : memref<128x1xi32, #tpu.memory_space<vmem>>, vector<128x1xi32>,
    } else {
    }
    return
  }
  func.func @transform_0(%arg0: i32) -> (i32, i32) {
    %c0_i32 = arith.constant 0 : i32
    %c0_i32_0 = arith.constant 0 : i32
    %c0_i32_1 = arith.constant 0 : i32
    return %c0_i32, %c0_i32_0 : i32, i32
  }
  func.func @transform_1(%arg0: i32) -> (i32, i32) {
    %c0_i32 = arith.constant 0 : i32
    %c0_i32_0 = arith.constant 0 : i32
    return %c0_i32, %arg0 : i32, i32
  }
  func.func @transform_2(%arg0: i32) -> i32 {
    %c0_i32 = arith.constant 0 : i32
    return %arg0 : i32
  }
  func.func @transform_3(%arg0: i32) -> (i32, i32) {
    %c0_i32 = arith.constant 0 : i32
    %c0_i32_0 = arith.constant 0 : i32
    return %c0_i32, %arg0 : i32, i32
  }
  func.func @transform_4(%arg0: i32) -> (i32, i32) {
    %c0_i32 = arith.constant 0 : i32
    %c0_i32_0 = arith.constant 0 : i32
    %c0_i32_1 = arith.constant 0 : i32
    return %c0_i32, %c0_i32_0 : i32, i32
  }
}

</mosaic_0001>

<sc_bundles>
// kernel: kernel.5.cloned.1.call-start
scs
__scs_entry_jumppad:
0x0: {  	(pc) =	sbr.rel $0x88, $3  }
0x1: {  	(tag) =	ssettag $0x0;
	lr =	simm.s32 $0x1  }
0x2: {  	[smem:$0x3F9A] =	sst lr;
	_ =	strace $0xD0000000  }
0x3: {  	_ = 	snop  }
0x4: {  	_ = 	snop  }
0x5: {  	_ = 	snop  }
0x6: {  	_ = 	snop  }
0x7: {  	_ = 	snop  }
__scs_overlays_trampoline_lowered:
0x8: {  	[smem:$0x3FA9] =	sst s0  }
0x9: {  	[smem:$0x3FAA] =	sst s1  }
0xa: {  	[smem:$0x3FAB] =	sst s2  }
0xb: {  	[smem:$0x3FAC] =	sst s3  }
0xc: {  	[smem:$0x3FAD] =	sst s4  }
0xd: {  	[smem:$0x3FAE] =	sst s5  }
0xe: {  	[smem:$0x3FAF] =	sst s6  }
0xf: {  	[smem:$0x3FB0] =	sst s7  }
0x10: {  	[smem:$0x3FB1] =	sst s8  }
0x11: {  	[smem:$0x3FB2] =	sst s9;
	s0 =	simm.s32 @!p0 $0x0  }
0x12: {  	s1 =	sld [smem:$0x3F98];
	s0 =	simm.s32 @p0 $0x1  }
0x13: {  	[smem:$0x3FB3] =	sst s0;
	s0 =	simm.s32 @!p1 $0x0  }
0x14: {  	s2 =	sld [smem:$0x3F97];
	s0 =	simm.s32 @p1 $0x1  }
0x15: {  	[smem:$0x3FB4] =	sst s0;
	s0 =	simm.s32 @!p2 $0x0  }
0x16: {  	s3 =	sld [smem:$0x3FDB];
	s0 =	simm.s32 @p2 $0x1  }
0x17: {  	s4 =	simm.s32 $0x1BF5;
	[smem:$0x3FB6] =	sst s0  }
0x18: {  	s0 =	sld [smem:$0x3F99];
	_ =	swait.ge [sflag:s4], $0x0  }
0x19: {  	s7 =	sld [smem:$0x3F9A]  }
0x1a: {  	s8 =	sadd.s32 $0xFFFFE003, lr  }
0x1b: {  	s9 =	sadd.s32 $0xFFFFFEF7, lr;
	s5 =	simm.s32 $0xFFFFFFFF;
	p2 =	slt.u32 s8, $0xFFFFF086  }
0x1c: {  	p1 =	slt.u32 s9, $0xF7A;
	s5 =	simm.s32 @!p2 $0x0  }
0x1d: {  	s5 =	simm.s32 @p1 $0x1;
	p0 =	seq.s32 s7, s2  }
0x1e: {  	s7 =	smul.u32 @!p0 $0xF7A, s2;
	p2 =	seq.s32 @!p0 s5, $0x0  }
0x1f: {  	s9 =	smul.u32 $0xF7A, s1;
	s8 =	simm.s32 @!p0 $0x1BF5;
	p2 =	por !p2, p0  }
0x20: {  	[sflag:s8] =	ssyncset.s32 @!p0 $0xFFFFF086;
	s6 =	sadd.s32 @!p0 s3, s7;
	s7 =	simm.s32 @!p0 $0x108  }
0x21: {  	s3 =	sadd.s32 s3, s9;
	s6 =	sadd.s32 @!p0 $0x88, s6;
	s7 =	simm.s32 @p2 $0x1082  }
0x22: {  	[simem:s7], [sflag:s8] =	dma.local @!p0 [hbm:s6], $0xF7A  }
0x23: {  	s9 =	sor.u32 $0xD0000000, s2;
	s6 =	simm.s32 $0x108;
	_ =	swait.ge @!p0 [sflag:s8], $0x0  }
0x24: {  	s3 =	sadd.s32 $0x88, s3;
	s6 =	simm.s32 @!p1 $0x1082;
	[sflag:s4] =	ssyncset.s32 $0xFFFFF086  }
0x25: {  	[simem:s6], [sflag:s4] =	dma.local [hbm:s3], $0xF7A  }
0x26: {  	[smem:$0x3F9A] =	sst s1;
	(tag) =	ssettag s2;
	_ =	strace s9  }
0x27: {  	s1 =	sld [smem:$0x3FAA]  }
0x28: {  	s2 =	sld [smem:$0x3FAB]  }
0x29: {  	s4 =	sld [smem:$0x3FAD]  }
0x2a: {  	p0 =	seq.s32 s5, $0x0;
	s5 =	sld [smem:$0x3FAE]  }
0x2b: {  	s6 =	sld [smem:$0x3FAF]  }
0x2c: {  	s7 =	sld [smem:$0x3FB0]  }
0x2d: {  	s3 =	simm.s32 $0x108;
	s8 =	sld [smem:$0x3FB1]  }
0x2e: {  	s3 =	simm.s32 @!p0 $0x1082;
	s9 =	sld [smem:$0x3FB2]  }
0x2f: {  	lr =	sadd.s32 s0, s3;
	s0 =	sld [smem:$0x3FA9]  }
0x30: {  	s3 =	sld [smem:$0x3FAC]  }
0x31: {  	[smem:$0x3FB5] =	sst s10  }
0x32: {  	s10 =	sld [smem:$0x3FB3];
	_ =	sdelay $0x3  }
0x33: {  	p0 =	seq.s32 s10, $0x1;
	s10 =	sld [smem:$0x3FB5];
	_ =	sdelay $0x3  }
0x34: {  	[smem:$0x3FB5] =	sst s10  }
0x35: {  	s10 =	sld [smem:$0x3FB4];
	_ =	sdelay $0x3  }
0x36: {  	p1 =	seq.s32 s10, $0x1;
	s10 =	sld [smem:$0x3FB5];
	_ =	sdelay $0x3  }
0x37: {  	[smem:$0x3FB5] =	sst s10  }
0x38: {  	s10 =	sld [smem:$0x3FB6]  }
0x39: {  	_ = 	snop;
	(pc) =	sbr.ind lr, $3  }
0x3a: {  	_ = 	snop  }
0x3b: {  	_ = 	snop  }
0x3c: {  	p2 =	seq.s32 s10, $0x1;
	s10 =	sld [smem:$0x3FB5]  }
0x3d: {  	_ =	shalt  }
0x3e: {  	_ =	shalt  }
0x3f: {  	_ =	shalt  }
0x40: {  	_ =	shalt  }
0x41: {  	_ =	shalt  }
0x42: {  	_ =	shalt  }
0x43: {  	_ =	shalt  }
0x44: {  	_ =	shalt  }
0x45: {  	_ =	shalt  }
0x46: {  	_ =	shalt  }
0x47: {  	_ =	shalt  }
0x48: {  	_ =	shalt  }
0x49: {  	_ =	shalt  }
0x4a: {  	_ =	shalt  }
0x4b: {  	_ =	shalt  }
0x4c: {  	_ =	shalt  }
0x4d: {  	_ =	shalt  }
0x4e: {  	_ =	shalt  }
0x4f: {  	_ =	shalt  }
0x50: {  	_ =	shalt  }
0x51: {  	_ =	shalt  }
0x52: {  	_ =	shalt  }
0x53: {  	_ =	shalt  }
0x54: {  	_ =	shalt  }
0x55: {  	_ =	shalt  }
0x56: {  	_ =	shalt  }
0x57: {  	_ =	shalt  }
0x58: {  	_ =	shalt  }
0x59: {  	_ =	shalt  }
0x5a: {  	_ =	shalt  }
0x5b: {  	_ =	shalt  }
0x5c: {  	_ =	shalt  }
0x5d: {  	_ =	shalt  }
0x5e: {  	_ =	shalt  }
0x5f: {  	_ =	shalt  }
0x60: {  	_ =	shalt  }
0x61: {  	_ =	shalt  }
0x62: {  	_ =	shalt  }
0x63: {  	_ =	shalt  }
0x64: {  	_ =	shalt  }
0x65: {  	_ =	shalt  }
0x66: {  	_ =	shalt  }
0x67: {  	_ =	shalt  }
0x68: {  	_ =	shalt  }
0x69: {  	_ =	shalt  }
0x6a: {  	_ =	shalt  }
0x6b: {  	_ =	shalt  }
0x6c: {  	_ =	shalt  }
0x6d: {  	_ =	shalt  }
0x6e: {  	_ =	shalt  }
0x6f: {  	_ =	shalt  }
0x70: {  	_ =	shalt  }
0x71: {  	_ =	shalt  }
0x72: {  	_ =	shalt  }
0x73: {  	_ =	shalt  }
0x74: {  	_ =	shalt  }
0x75: {  	_ =	shalt  }
0x76: {  	_ =	shalt  }
0x77: {  	_ =	shalt  }
0x78: {  	_ =	shalt  }
0x79: {  	_ =	shalt  }
0x7a: {  	_ =	shalt  }
0x7b: {  	_ =	shalt  }
0x7c: {  	_ =	shalt  }
0x7d: {  	_ =	shalt  }
0x7e: {  	_ =	shalt  }
0x7f: {  	_ =	shalt  }
0x80: {  	_ =	shalt  }
0x81: {  	_ =	shalt  }
0x82: {  	_ =	shalt  }
0x83: {  	_ =	shalt  }
0x84: {  	_ =	shalt  }
0x85: {  	_ =	shalt  }
0x86: {  	_ =	shalt  }
0x87: {  	_ =	shalt  }
.Lfunc_end0:
.L_simem_size_0:
called_computation.1_lowered:
.L_overlay_start_0:
0x88: {  	s2 =	sld [smem:$0x3FD9]  }
0x89: {  	s3 =	sld [smem:$0x3FFE];
	_ =	sdelay $0x1  }
0x8a: {  	s1 =	srdreg.scid  }
0x8b: {  	s0 =	sand.u32 $0x1, s1  }
0x8c: {  	s17 =	sshll.u32 s0, $0xA;
	s2 =	sadd.s32 s3, s2  }
0x8d: {  	s2 =	sadd.s32 s2, s17  }
0x8e: {  	[smem:$0x3FC1] =	sst s2  }
0x8f: {  	_ = 	snop  }
0x90: {  	s2 =	sld [smem:$0x3FD0];
	(tm) =	ssettm $0x1  }
0x91: {  	s18 =	sld [smem:$0x3FFB];
	_ =	sdelay $0x3  }
0x92: {  	_ =	strace s18  }
0x93: {  	s3 =	sld [smem:$0x3FFC];
	_ =	sdelay $0x3  }
0x94: {  	_ =	strace s3  }
0x95: {  	s3 =	sld [smem:$0x3FFD];
	_ =	sdelay $0x3  }
0x96: {  	_ =	strace s3  }
0x97: {  	_ =	strace $0x8FFFFFFF  }
0x98: {  	s19 =	sld [smem:$0x3FDB];
	_ =	sdelay $0x1  }
0x99: {  	s4 =	simm.s32 $_scs_section_size  }
0x9a: {  	s5 =	simm.s32 $_size__tile_overlayer_lowered;
	s6 =	simm.s32 $_tile_overlayer_lowered  }
0x9b: {  	s22 =	simm.s32 $0x1BFF;
	s21 =	sshll.u32 s6, $0x1;
	s3 =	sadd.s32 s4, s19  }
0x9c: {  	s7 =	simm.s32 $0x0;
	s20 =	sshll.u32 s5, $0x1;
	s5 =	sadd.s32 s21, s3  }
0x9d: {  	[timem:s7], [sflag:s22] =	dma.local [hbm:s5], s20  }
0x9e: {  	_ =	swait.ge [sflag:s22], s20  }
0x9f: {  	s4 =	ssub.s32 $0x0, s20;
	[sflag:s22] =	ssyncset.done $0x0  }
0xa0: {  	[sflag:s22] =	ssyncadd.s32 s4;
	_ =	sdelay $0x1  }
0xa1: {  	s23 =	simm.s32 $0x1B8B  }
0xa2: {  	_ =	swait.ge [sflag:s23], $0x1  }
0xa3: {  	[sflag:s23] =	ssyncset.done $0x0  }
0xa4: {  	s25 =	simm.s32 $0x1B8E;
	s24 =	sld [smem:$0x3FFE];
	[sflag:s23] =	ssyncadd.s32 $0xFFFFFFFF  }
0xa5: {  	s26 =	simm.s32 $execute0_lowered;
	[smem:$0x3FD2] =	sst s25  }
0xa6: {  	s5 =	sshll.u32 s26, $0x1;
	_ =	strace $0x80000046;
	[dreg:$0x1] =	wrdreg $0xFFFFFFFF  }
0xa7: {  	s28 =	simm.s32 $_size_execute0_lowered;
	s3 =	sadd.s32 s3, s5;
	[dreg:$0x0] =	wrdreg $0x0  }
0xa8: {  	s5 =	sshll.u32 s28, $0x1;
	[dreg:$0x2] =	wrdreg s3  }
0xa9: {  	[dreg:$0x3] =	wrdreg s5  }
0xaa: {  	[dreg:$0x4] =	wrdreg $0xC0  }
0xab: {  	_ =	task [dreg:s7], $0x5FFFF  }
0xac: {  	[dreg:$0x1] =	wrdreg $0xFFFFFFFF  }
0xad: {  	[dreg:$0x0] =	wrdreg $0x60  }
0xae: {  	[dreg:$0x2] =	wrdreg s24  }
0xaf: {  	[dreg:$0x3] =	wrdreg s2  }
0xb0: {  	[dreg:$0x4] =	wrdreg $0x9  }
0xb1: {  	_ =	task.clear_ibuf [dreg:s7], $0x5FFFF;
	_ =	strace $0x90000046  }
0xb2: {  	s29 =	simm.s32 $0x9;
	_ =	strace $0x80000048  }
0xb3: {  	_ =	swait.ge [sflag:s29], $0x1  }
0xb4: {  	[sflag:s29] =	ssyncadd.s32 $0xFFFFFFFF  }
0xb5: {  	_ =	strace $0x90000048  }
0xb6: {  	_ =	sfence  }
0xb7: {  	s30 =	sld [smem:$0x0];
	_ =	sdelay $0x2  }
0xb8: {  	s31 =	sshll.u32 s1, $0xD;
	s1 =	sshrl.u32 s1, $0x2  }
0xb9: {  	s3 =	sand.u32 $0x4000, s31;
	s1 =	sadd.s32 s1, s30  }
0xba: {  	s0 =	sor.u32 s3, s0;
	s1 =	sshll.u32 s1, $0x11  }
0xbb: {  	s0 =	sor.u32 s1, s0  }
0xbc: {  	s0 =	sadd.s32 $0x8F2B, s0  }
0xbd: {  	[sflag:s0] =	ssyncadd.remote.s32 $0x1  }
0xbe: {  	_ =	sfence.sel $0xFFFF  }
0xbf: {  	[dreg:$0x0] =	wrdreg $0xFFFFFFFF;
	(pc) =	sbr.abs _section_cstart, $3  }
0xc0: {  	[dreg:$0x1] =	wrdreg $0xFFFFFFFF  }
0xc1: {  	_ =	task.clear_ibuf [dreg:s7], $0x2FFFF;
	_ =	strace $0x9FFFFFFF  }
0xc2: {  	(tm) =	ssettm $0x7FFFFFFF  }
0xc3: {  	_ =	shalt  }
tec
execute0_lowered:
.L_overlay_start_1:
0x0: {  	(tag) =	ssettag $0x1  }
0x1: {  	s3 =	rddreg [dreg:$0x0];
	s4 =	srdreg.scid  }
0x2: {  	s1 =	rddreg [dreg:$0x1];
	s4 =	sand.u32 $0x1, s4  }
0x3: {  	s0 =	rddreg [dreg:$0x2];
	s2 =	simm.s32 $0x0;
	s6 =	sshll.u32 s4, $0x6  }
0x4: {  	s8 =	stileid.u32;
	s10 =	simm.s32 $0x0;
	v0 =	vmov s6;
	s7 =	sor.u32 $0x10, s6  }
0x5: {  	s5 =	sshll.u32 s4, $0x4;
	s9 =	sor.u32 $0x20, s6;
	s6 =	sor.u32 $0x30, s6;
	v0 =	vmul.u32 $0x186A0, v0;
	v1 =	vmov s7  }
0x6: {  	[smem:$0x7FF] =	sst s2;
	p0 =	sne.s32 s8, $0x0;
	s5 =	sor.u32 s8, s5;
	v2 =	vmov s9;
	v3 =	vmov s6;
	v1 =	vmul.u32 $0x186A0, v1  }
0x7: {  	v4 =	vlaneseq.u32;
	s28 =	sshll.u32 s4, $0x3;
	s4 =	ssub.s32 $0x2, s4;
	s5 =	smul.u32 $0x61A80, s5;
	v2 =	vmul.u32 $0x186A0, v2;
	v3 =	vmul.u32 $0x186A0, v3  }
0x8: {  	v4 =	vmul.u32 $0x186A0, v4;
	_ =	strace $0x80000047;
	s29 =	sadd.s32 s28, s3;
	s30 =	sshrl.u32 s4, $0x1;
	v0 =	vbroadcast v0, $0x0;
	v1 =	vbroadcast v1, $0x0  }
0x9: {  	s31 =	ssub.s32 s4, s30;
	s7 =	sadd.s32 $0x1800, s29;
	s5 =	sshrl.u32 s5, $0x3;
	v2 =	vbroadcast v2, $0x0;
	v3 =	vbroadcast v3, $0x0  }
0xa: {  	vm0 =	vmmov @!p0 $0xffff;
	s9 =	simm.s32 $0x1;
	s8 =	smax.u32 s31, $0x1;
	s3 =	sadd.s32 s1, s5;
	v0 =	vadd.s32 v4, v0;
	v1 =	vadd.s32 v4, v1  }
0xb: {  	s4 =	sadd.s32 $0x30D4, s3;
	s5 =	sadd.s32 $0x61A8, s3;
	s6 =	sadd.s32 $0x927C, s3;
	v2 =	vadd.s32 v4, v2;
	v3 =	vadd.s32 v4, v3;
	v4 =	vimm.f32 $0.0e+00  }
.LBB2_1:
0xc: {  	s11 =	simm.s32 $0x40;
	s12 =	simm.s32 $0x0  }
.LBB2_2:
0xd: {  	p1 =	sne.s32 s11, $0x61A40;
	[tilespmem:s12+$0x0] =	vst v4;
	s12 =	smov.u32 s11;
	s11 =	sadd.s32 $0x40, s11  }
.Ltmp0:
0xe: {  	(pc) =	sbr.rel @p1 .LBB2_2-.Ltmp0, $2  }
0xf: {  	_ =	sdelay $0x2  }
0x10: {  	s12 =	sshra.s32 s12, $0x2  }
0x11: {  	[tilespmem:s12+$0x0] =	vst v4  }
0x12: {  	[hbm4b:s3+s2] =	stream.linear.scatter [tilespmem:s2], [sflag:$0x1], $0x186A0, $0x38;
	[tilespmem:$0x18800] =	vst v63  }
0x13: {  	_ = 	snop  }
0x14: {  	[hbm4b:s4+s2] =	stream.linear.scatter [tilespmem:s2], [sflag:$0x1], $0x186A0, $0x38;
	[tilespmem:$0x18800] =	vst v63  }
0x15: {  	_ = 	snop  }
0x16: {  	[hbm4b:s5+s2] =	stream.linear.scatter [tilespmem:s2], [sflag:$0x1], $0x186A0, $0x38;
	[tilespmem:$0x18800] =	vst v63  }
0x17: {  	_ = 	snop  }
0x18: {  	[hbm4b:s6+s2] =	stream.linear.scatter [tilespmem:s2], [sflag:$0x1], $0x186A0, $0x38;
	[tilespmem:$0x18800] =	vst v63  }
0x19: {  	_ =	swait.ge [sflag:s9], $0x186A0  }
0x1a: {  	[sflag:s9] =	ssyncset.done $0x0  }
0x1b: {  	[sflag:s9] =	ssyncadd.s32 $0xFFFE7960  }
0x1c: {  	_ =	swait.ge [sflag:s9], $0x186A0  }
0x1d: {  	[sflag:s9] =	ssyncset.done $0x0  }
0x1e: {  	[sflag:s9] =	ssyncadd.s32 $0xFFFE7960  }
0x1f: {  	_ =	swait.ge [sflag:s9], $0x186A0  }
0x20: {  	[sflag:s9] =	ssyncset.done $0x0  }
0x21: {  	[sflag:s9] =	ssyncadd.s32 $0xFFFE7960  }
0x22: {  	_ =	swait.ge [sflag:s9], $0x186A0  }
0x23: {  	[sflag:s9] =	ssyncset.done $0x0  }
0x24: {  	[sflag:s9] =	ssyncadd.s32 $0xFFFE7960  }
0x25: {  	s11 =	simm.s32 @!p0 $0x0;
	s12 =	simm.s32 @!p0 $0x18700;
	[bflag:$0x0] =	sbarrier.arrive $0xFFFF  }
0x26: {  	[tilespmem:s12], [sflag:$0x3] =	stream.linear.gather @!p0 [hbm4b:s7+s11], $0x40, $0x38;
	[tilespmem:$0x18800] =	vst v63  }
0x27: {  	s12 =	simm.s32 @!p0 $0x3  }
0x28: {  	_ =	swait.ge @!p0 [sflag:s12], $0x40  }
0x29: {  	[sflag:s12] =	ssyncset.done @!p0 $0x0  }
0x2a: {  	[sflag:s12] =	ssyncadd.s32 @!p0 $0xFFFFFFC0  }
0x2b: {  	v5 =	vld @!p0 [tilespmem:$0x18700];
	_ =	sdelay $0x4  }
0x2c: {  	v5 =	vadd.s32 @!p0 v5, v0;
	_ =	sdelay $0x2  }
0x2d: {  	v6 =	vimm.f32 @!p0 $1.000000000e+00  }
0x2e: {  	s12 =	simm.s32 @!p0 $0x18780;
	[tilespmem:$0x18780] =	vst @!p0 v6  }
0x2f: {  	[hbm4b:s1+s11] =	stream.indirect_vreg.scatter @!p0 [tilespmem:s12], [sflag:$0x2], $0x1, v5, vm0, $0xb8;
	[tilespmem:$0x18800] =	vst v63  }
0x30: {  	v5 =	vld @!p0 [tilespmem:$0x18710];
	_ =	sdelay $0x4  }
0x31: {  	v5 =	vadd.s32 @!p0 v5, v1;
	_ =	sdelay $0x4  }
0x32: {  	[hbm4b:s1+s11] =	stream.indirect_vreg.scatter @!p0 [tilespmem:s12], [sflag:$0x2], $0x1, v5, vm0, $0xb8;
	[tilespmem:$0x18800] =	vst v63  }
0x33: {  	v5 =	vld @!p0 [tilespmem:$0x18720];
	_ =	sdelay $0x4  }
0x34: {  	v5 =	vadd.s32 @!p0 v5, v2;
	_ =	sdelay $0x4  }
0x35: {  	[hbm4b:s1+s11] =	stream.indirect_vreg.scatter @!p0 [tilespmem:s12], [sflag:$0x2], $0x1, v5, vm0, $0xb8;
	[tilespmem:$0x18800] =	vst v63  }
0x36: {  	v5 =	vld @!p0 [tilespmem:$0x18730];
	_ =	sdelay $0x4  }
0x37: {  	v5 =	vadd.s32 @!p0 v5, v3;
	_ =	sdelay $0x4  }
0x38: {  	[hbm4b:s1+s11] =	stream.indirect_vreg.scatter @!p0 [tilespmem:s12], [sflag:$0x2], $0x1, v5, vm0, $0xb8;
	[tilespmem:$0x18800] =	vst v63  }
0x39: {  	s11 =	simm.s32 @!p0 $0x2  }
0x3a: {  	_ =	swait.ge @!p0 [sflag:s11], $0x10  }
0x3b: {  	[sflag:s11] =	ssyncset.done @!p0 $0x0  }
0x3c: {  	[sflag:s11] =	ssyncadd.s32 @!p0 $0xFFFFFFF0  }
0x3d: {  	_ =	swait.ge @!p0 [sflag:s11], $0x10  }
0x3e: {  	[sflag:s11] =	ssyncset.done @!p0 $0x0  }
0x3f: {  	s10 =	sadd.s32 $0x1, s10;
	[sflag:s11] =	ssyncadd.s32 @!p0 $0xFFFFFFF0  }
0x40: {  	p1 =	sne.s32 s10, s8;
	_ =	swait.ge @!p0 [sflag:s11], $0x10  }
.Ltmp1:
0x41: {  	[sflag:s11] =	ssyncset.done @!p0 $0x0;
	(pc) =	sbr.rel @p1 .LBB2_1-.Ltmp1, $4  }
0x42: {  	[sflag:s11] =	ssyncadd.s32 @!p0 $0xFFFFFFF0  }
0x43: {  	_ =	swait.ge @!p0 [sflag:s11], $0x10  }
0x44: {  	[sflag:s11] =	ssyncset.done @!p0 $0x0  }
0x45: {  	[sflag:s11] =	ssyncadd.s32 @!p0 $0xFFFFFFF0  }
0x46: {  	_ =	sfence.sel $0x180000  }
0x47: {  	[bflag:$0x0] =	sbarrier.arrive $0xFFFF  }
0x48: {  	_ =	strace $0x90000047  }
0x49: {  	s0 =	sadd.s32 @!p0 $0x100000, s0;
	[bflag:$0x2] =	sbarrier.arrive $0xFFFF  }
0x4a: {  	[sflag:s0] =	ssyncadd.tile.s32 @!p0 $0x1;
	_ =	shalt  }
.Lfunc_end2:
_tile_overlayer_lowered:
.L_overlay_start_2:
0x4b: {  	(tag) =	ssettag $0x2  }
0x4c: {  	s0 =	rddreg [dreg:$0x0];
	s2 =	stileid.u32  }
0x4d: {  	s1 =	rddreg [dreg:$0x1];
	p0 =	sne.s32 s2, $0x0  }
0x4e: {  	s3 =	rddreg [dreg:$0x2];
	[bflag:$0x3] =	sbarrier.arrive $0xFFFF;
	s2 =	simm.s32 @!p0 $0x1C03  }
0x4f: {  	[timem:s3], [sflag:s2] =	dma.local @!p0 [hbm:s0], s1  }
0x50: {  	s0 =	simm.s32 @!p0 $0x3  }
0x51: {  	_ =	swait.ge @!p0 [sflag:s0], s1  }
0x52: {  	s1 =	ssub.s32 @!p0 $0x0, s1;
	[sflag:s0] =	ssyncset.done @!p0 $0x0  }
0x53: {  	[sflag:s0] =	ssyncadd.s32 @!p0 s1  }
0x54: {  	[bflag:$0x3] =	sbarrier.arrive $0xFFFF  }
0x55: {  	_ =	shalt  }

// kernel: sparse-core-data-format-call.cloned.1.call-start
scs
called_computation_lowered:
.L_overlay_start_0:
0x0: {  	s2 =	sld [smem:$0x3FD9]  }
0x1: {  	s3 =	sld [smem:$0x3FFE];
	_ =	sdelay $0x1  }
0x2: {  	s1 =	srdreg.scid  }
0x3: {  	s0 =	sand.u32 $0x1, s1  }
0x4: {  	s18 =	sshll.u32 s0, $0xA;
	s2 =	sadd.s32 s3, s2  }
0x5: {  	s2 =	sadd.s32 s2, s18  }
0x6: {  	[smem:$0x3FC1] =	sst s2  }
0x7: {  	_ = 	snop  }
0x8: {  	s2 =	sld [smem:$0x3FD0];
	(tm) =	ssettm $0x1  }
0x9: {  	s19 =	sld [smem:$0x3FFB];
	_ =	sdelay $0x3  }
0xa: {  	_ =	strace s19  }
0xb: {  	s3 =	sld [smem:$0x3FFC];
	_ =	sdelay $0x3  }
0xc: {  	_ =	strace s3  }
0xd: {  	s3 =	sld [smem:$0x3FFD];
	_ =	sdelay $0x3  }
0xe: {  	_ =	strace s3  }
0xf: {  	_ =	strace $0x8FFFFFFF  }
0x10: {  	s20 =	sld [smem:$0x3FDB];
	_ =	sdelay $0x1  }
0x11: {  	s4 =	simm.s32 $_scs_section_size  }
0x12: {  	s5 =	simm.s32 $_size__tile_overlayer_lowered;
	s6 =	simm.s32 $_tile_overlayer_lowered  }
0x13: {  	s23 =	simm.s32 $0x1BFF;
	s22 =	sshll.u32 s6, $0x1;
	s3 =	sadd.s32 s4, s20  }
0x14: {  	s7 =	simm.s32 $0x0;
	s21 =	sshll.u32 s5, $0x1;
	s5 =	sadd.s32 s22, s3  }
0x15: {  	[timem:s7], [sflag:s23] =	dma.local [hbm:s5], s21  }
0x16: {  	_ =	swait.ge [sflag:s23], s21  }
0x17: {  	s4 =	ssub.s32 $0x0, s21;
	[sflag:s23] =	ssyncset.done $0x0  }
0x18: {  	[sflag:s23] =	ssyncadd.s32 s4;
	_ =	sdelay $0x1  }
0x19: {  	s24 =	simm.s32 $0x1B8B  }
0x1a: {  	_ =	swait.ge [sflag:s24], $0x1  }
0x1b: {  	[sflag:s24] =	ssyncset.done $0x0  }
0x1c: {  	s26 =	simm.s32 $0x1B8E;
	s25 =	sld [smem:$0x3FFE];
	[sflag:s24] =	ssyncadd.s32 $0xFFFFFFFF  }
0x1d: {  	s27 =	simm.s32 $execute0_lowered;
	[smem:$0x3FD2] =	sst s26  }
0x1e: {  	s5 =	sshll.u32 s27, $0x1;
	_ =	strace $0x80000049;
	[dreg:$0x1] =	wrdreg $0xFFFFFFFF  }
0x1f: {  	s28 =	simm.s32 $_size_execute0_lowered;
	s3 =	sadd.s32 s3, s5;
	[dreg:$0x0] =	wrdreg $0x0  }
0x20: {  	s5 =	sshll.u32 s28, $0x1;
	[dreg:$0x2] =	wrdreg s3  }
0x21: {  	[dreg:$0x3] =	wrdreg s5  }
0x22: {  	[dreg:$0x4] =	wrdreg $0xC0  }
0x23: {  	_ =	task [dreg:s7], $0x5FFFF  }
0x24: {  	[dreg:$0x1] =	wrdreg $0xFFFFFFFF  }
0x25: {  	[dreg:$0x0] =	wrdreg $0x60  }
0x26: {  	[dreg:$0x2] =	wrdreg s25  }
0x27: {  	[dreg:$0x3] =	wrdreg s2  }
0x28: {  	[dreg:$0x4] =	wrdreg $0x9  }
0x29: {  	_ =	task.clear_ibuf [dreg:s7], $0x5FFFF;
	_ =	strace $0x90000049  }
0x2a: {  	s29 =	simm.s32 $0x9;
	_ =	strace $0x8000004B  }
0x2b: {  	_ =	swait.ge [sflag:s29], $0x1  }
0x2c: {  	[sflag:s29] =	ssyncadd.s32 $0xFFFFFFFF  }
0x2d: {  	_ =	strace $0x9000004B  }
0x2e: {  	_ =	sfence  }
0x2f: {  	s30 =	sld [smem:$0x0];
	_ =	sdelay $0x2  }
0x30: {  	s31 =	sshll.u32 s1, $0xD;
	s1 =	sshrl.u32 s1, $0x2  }
0x31: {  	s3 =	sand.u32 $0x4000, s31;
	s1 =	sadd.s32 s1, s30  }
0x32: {  	s0 =	sor.u32 s3, s0;
	s1 =	sshll.u32 s1, $0x11  }
0x33: {  	s0 =	sor.u32 s1, s0  }
0x34: {  	s0 =	sadd.s32 $0x8F2B, s0  }
0x35: {  	[sflag:s0] =	ssyncadd.remote.s32 $0x1  }
0x36: {  	_ =	sfence.sel $0xFFFF  }
0x37: {  	[dreg:$0x0] =	wrdreg $0xFFFFFFFF;
	(pc) =	sbr.abs _section_cstart, $3  }
0x38: {  	[dreg:$0x1] =	wrdreg $0xFFFFFFFF  }
0x39: {  	_ =	task.clear_ibuf [dreg:s7], $0x2FFFF;
	_ =	strace $0x9FFFFFFF  }
0x3a: {  	(tm) =	ssettm $0x7FFFFFFF  }
0x3b: {  	_ =	shalt  }
tec
execute0_lowered:
.L_overlay_start_1:
0x0: {  	(tag) =	ssettag $0x1  }
0x1: {  	s4 =	rddreg [dreg:$0x0]  }
0x2: {  	s0 =	srdreg.scid;
	s2 =	rddreg [dreg:$0x1]  }
0x3: {  	s1 =	stileid.u32;
	s5 =	simm.s32 $0x1;
	s7 =	simm.s32 $0x2  }
0x4: {  	s14 =	simm.s32 $0x0;
	p0 =	por $0x0, $0x0;
	s0 =	sshll.u32 s0, $0x4  }
0x5: {  	s13 =	simm.s32 $0x0;
	s8 =	simm.s32 $0x0;
	s3 =	sand.u32 $0x10, s0  }
.Ltmp0:
0x6: {  	s9 =	simm.s32 $0x0;
	s3 =	sor.u32 s1, s3;
	(pc) =	sbr.rel .LBB1_1-.Ltmp0, $4  }
0x7: {  	s11 =	simm.s32 $0x0;
	s12 =	simm.s32 $0x0;
	s3 =	sshll.u32 s3, $0x7  }
0x8: {  	s0 =	rddreg [dreg:$0x2];
	_ =	strace $0x8000004A;
	s6 =	ssub.s32 $0x18680, s3  }
0x9: {  	s4 =	sadd.s32 $0x1800, s4;
	[sflag:s5] =	ssyncpa.u1 $0x0;
	s6 =	sshrl.u32 s6, $0xC  }
0xa: {  	[sflag:s7] =	ssyncpa.u1 $0x0;
	s10 =	smov.u32 s3;
	s7 =	sadd.s32 $0x2, s6  }
.LBB1_5:
0xb: {  	p1 =	slt.u32 s12, $0x2  }
0xc: {  	p2 =	sgt.s32 @!p1 s14, $0x18620  }
0xd: {  	s15 =	smov.u32 s14;
	s16 =	sshra.s32 @!p1 s14, $0x1F;
	p2 =	por !p2, p1  }
0xe: {  	s14 =	sand.u32 @!p1 s16, s14;
	s15 =	simm.s32 @p2 $0x18620  }
0xf: {  	s14 =	ssub.s32 @!p1 s15, s14;
	s15 =	ssub.s32 @!p1 $0x0, s13  }
0x10: {  	s17 =	smov.u32 s11;
	s16 =	sadd.s32 @!p1 $0xFFFE79E0, s14;
	s13 =	smin.u32 @!p1 s13, s15  }
0x11: {  	s14 =	ssub.s32 @!p1 $0x186A0, s14;
	p2 =	sgt.s32 @!p1 s16, $0x7F;
	p3 =	sgt.s32 @!p1 s13, $0x7F  }
0x12: {  	s13 =	ssub.s32 @!p1 $0x80, s13;
	p2 =	por !p2, p1;
	p3 =	por !p3, p1  }
0x13: {  	s15 =	sadd.s32 $0x1000, s10;
	s14 =	simm.s32 @!p2 $0x0;
	s13 =	simm.s32 @!p3 $0x0  }
0x14: {  	p2 =	sgt.s32 s15, $0x1869F;
	s13 =	smul.u32 @!p1 s13, s14;
	s14 =	sadd.s32 $0x80, s11  }
0x15: {  	s17 =	smov.u32 @p2 s14  }
0x16: {  	s15 =	smov.u32 @p2 s3;
	p2 =	sgt.s32 s17, $0x7F  }
0x17: {  	s17 =	simm.s32 @p2 $0x0;
	p2 =	sne.s32 s12, s7  }
.Ltmp1:
0x18: {  	p0 =	por !p0, !p0;
	s16 =	simm.s32 @!p1 $0x2;
	(pc) =	sbr.rel @!p2 .LBB1_6-.Ltmp1, $4  }
0x19: {  	s14 =	smov.u32 s8;
	s8 =	smov.u32 s10;
	s13 =	sand.u32 @!p1 $0x3FFFFFFF, s13  }
0x1a: {  	s10 =	smov.u32 s15;
	_ =	swait.ge @!p1 [sflag:s16], s13;
	s18 =	ssub.s32 @!p1 $0x0, s13  }
0x1b: {  	s13 =	smov.u32 s9;
	s12 =	sadd.s32 $0x1, s12;
	[sflag:s16] =	ssyncset.done @!p1 $0x0  }
0x1c: {  	s9 =	smov.u32 s11;
	s11 =	smov.u32 s17;
	[sflag:s16] =	ssyncadd.s32 @!p1 s18  }
.LBB1_1:
0x1d: {  	p1 =	sgt.u32 s12, s6  }
0x1e: {  	s15 =	sshrl.u32 @!p1 s11, $0x3  }
0x1f: {  	s16 =	sshll.u32 @!p1 s10, $0x3;
	s15 =	smul.u32 @!p1 $0xC3800, s15  }
0x20: {  	s17 =	sshll.u32 @!p1 s11, $0x7;
	s16 =	sand.u32 @!p1 $0xFFFFFC00, s16  }
0x21: {  	s15 =	sadd.s32 @!p1 s15, s16;
	s16 =	sand.u32 @!p1 $0x380, s17  }
0x22: {  	s17 =	sand.u32 @!p1 $0x7F, s10;
	s15 =	sor.u32 @!p1 s16, s15  }
0x23: {  	s16 =	sor.u32 @!p1 s17, s15  }
0x24: {  	s17 =	smulhi.u32 @!p1 $0xA79C7B17, s16;
	_ =	sdelay $0x1  }
0x25: {  	s15 =	smulhi.u32 @!p1 $0xA79C7B17, s15;
	s17 =	sshrl.u32 @!p1 s17, $0x10  }
0x26: {  	s17 =	smul.u32 @!p1 $0x18700, s17  }
0x27: {  	s18 =	sxor.u32 @!p1 $0xFFFFFFFF, s12;
	s15 =	sshrl.u32 @!p1 s15, $0x10  }
0x28: {  	s18 =	sshll.u32 @!p1 s18, $0xE;
	s15 =	sand.u32 @!p1 $0x7F, s15;
	s16 =	ssub.s32 @!p1 s16, s17  }
0x29: {  	s15 =	smul.u32 @!p1 $0x30E0, s15;
	s17 =	sshrl.u32 @!p1 s16, $0x3;
	s16 =	sand.u32 @!p1 $0x7, s16  }
0x2a: {  	s18 =	sand.u32 @!p1 $0x4000, s18;
	s17 =	sadd.s32 @!p1 s4, s17;
	s16 =	sshll.u32 @!p1 s16, $0x12  }
0x2b: {  	s15 =	sadd.s32 @!p1 s15, s17;
	s16 =	sor.u32 @!p1 $0x400, s16;
	s17 =	simm.s32 @!p1 $0xC3800  }
0x2c: {  	[tilespmem:s18], [sflag:$0x1] =	stream.strided.gather @!p1 [hbm4b:s15+s16], $0x4000, s17, s16, $0x38;
	[tilespmem:$0x10100] =	vst v63  }
0x2d: {  	p1 =	seq.s32 s12, $0x0  }
0x2e: {  	p2 =	sge.u32 @!p1 s12, s7  }
0x2f: {  	p1 =	por p1, p2  }
.Ltmp2:
0x30: {  	_ = 	snop;
	(pc) =	sbr.rel @p1 .LBB1_5-.Ltmp2, $1  }
0x31: {  	_ =	sdelay $0x3  }
0x32: {  	s15 =	simm.s32 $0x1  }
0x33: {  	_ =	swait.ge [sflag:s5], $0x4000;
	s15 =	simm.s32 @!p0 $0x0  }
0x34: {  	[sflag:s5] =	ssyncset.done $0x0;
	s16 =	sshll.u32 s15, $0xE  }
0x35: {  	[sflag:s5] =	ssyncadd.s32 $0xFFFFC000;
	s16 =	sor.u32 $0x40, s16  }
0x36: {  	s15 =	smul.u32 $0x10200, s15;
	v0 =	vld [tilespmem:s16+$0x30]  }
0x37: {  	v1 =	vld [tilespmem:s16+$0xFFFFFFD0]  }
0x38: {  	s15 =	sshrl.u32 s15, $0x2;
	v5 =	vld [tilespmem:s16+$0xFFFFFFE0]  }
0x39: {  	v6 =	vld [tilespmem:s16+$0xFFFFFFF0];
	s18 =	sor.u32 $0x8000, s15  }
0x3a: {  	s31 =	sand.u32 $0x1, s12;
	v4 =	vld [tilespmem:s16+$0x0];
	s17 =	sadd.s32 $0x0, s18  }
0x3b: {  	v3 =	vld [tilespmem:s16+$0x10];
	s15 =	smul.u32 $0x10200, s31;
	[tilespmem:s17+$0x3870 ss:$0x81] =	vst.msk $0xffff, v0  }
0x3c: {  	v2 =	vld [tilespmem:s16+$0x20];
	[tilespmem:s17+$0x810 ss:$0x81] =	vst.msk $0xffff, v1  }
0x3d: {  	s15 =	sshrl.u32 s15, $0x2;
	v0 =	vld [tilespmem:s16+$0xFFFFFFC0];
	[tilespmem:s17+$0x1020 ss:$0x81] =	vst.msk $0xffff, v5;
	s16 =	sadd.s32 $0x80, s16  }
0x3e: {  	s19 =	simm.s32 $0x4;
	s20 =	simm.s32 $0x8;
	s15 =	sor.u32 $0x8000, s15;
	[tilespmem:s17+$0x1830 ss:$0x81] =	vst.msk $0xffff, v6;
	v1 =	vld [tilespmem:s16+$0x30]  }
.LBB1_3:
0x3f: {  	p1 =	sne.s32 s20, $0x1FC;
	v5 =	vld [tilespmem:s16+$0xFFFFFFD0];
	[tilespmem:s17+$0x2040 ss:$0x81] =	vst.msk $0xffff, v4  }
0x40: {  	v6 =	vld [tilespmem:s16+$0xFFFFFFE0];
	[tilespmem:s17+$0x2850 ss:$0x81] =	vst.msk $0xffff, v3  }
0x41: {  	s21 =	sshra.s32 s19, $0x2;
	s19 =	smov.u32 s20;
	v7 =	vld [tilespmem:s16+$0xFFFFFFF0];
	[tilespmem:s17+$0x3060 ss:$0x81] =	vst.msk $0xffff, v2  }
.Ltmp3:
0x42: {  	v4 =	vld [tilespmem:s16+$0x0];
	[tilespmem:s17+$0x0 ss:$0x81] =	vst.msk $0xffff, v0;
	s17 =	sadd.s32 s21, s18;
	(pc) =	sbr.rel @p1 .LBB1_3-.Ltmp3, $4  }
0x43: {  	v3 =	vld [tilespmem:s16+$0x10];
	[tilespmem:s17+$0x3870 ss:$0x81] =	vst.msk $0xffff, v1  }
0x44: {  	[tilespmem:s17+$0x810 ss:$0x81] =	vst.msk $0xffff, v5;
	v2 =	vld [tilespmem:s16+$0x20]  }
0x45: {  	v0 =	vld [tilespmem:s16+$0xFFFFFFC0];
	[tilespmem:s17+$0x1020 ss:$0x81] =	vst.msk $0xffff, v6;
	s16 =	sadd.s32 $0x80, s16  }
0x46: {  	s20 =	sadd.s32 $0x4, s20;
	v1 =	vld [tilespmem:s16+$0x30];
	[tilespmem:s17+$0x1830 ss:$0x81] =	vst.msk $0xffff, v7  }
0x47: {  	s20 =	sshll.u32 s8, $0x7;
	s21 =	sshll.u32 s9, $0x3;
	s19 =	sshra.s32 s19, $0x2  }
0x48: {  	v5 =	vld [tilespmem:s16+$0xFFFFFFD0];
	[tilespmem:s17+$0x2040 ss:$0x81] =	vst.msk $0xffff, v4;
	p1 =	sgt.s32 s8, $0x18620;
	s22 =	sand.u32 $0xFFFFFC00, s20;
	s21 =	sand.u32 $0xFFFFFC00, s21  }
0x49: {  	v58 =	vld [tilespmem:s16+$0xFFFFFFE0];
	s24 =	sshra.s32 s8, $0x1F;
	s20 =	sand.u32 $0x380, s20;
	[tilespmem:s17+$0x2850 ss:$0x81] =	vst.msk $0xffff, v3;
	s21 =	sadd.s32 s21, s22  }
0x4a: {  	v59 =	vld [tilespmem:s16+$0xFFFFFFF0];
	s26 =	ssub.s32 $0x0, s9;
	s18 =	sadd.s32 s19, s18;
	[tilespmem:s17+$0x3060 ss:$0x81] =	vst.msk $0xffff, v2;
	s23 =	sor.u32 s20, s21  }
0x4b: {  	v60 =	vld [tilespmem:s16+$0x0];
	s28 =	smin.u32 s9, s26;
	s20 =	smov.u32 s8;
	[tilespmem:s17+$0x0 ss:$0x81] =	vst.msk $0xffff, v0;
	s19 =	sshrl.u32 s23, $0x7  }
0x4c: {  	v61 =	vld [tilespmem:s16+$0x10];
	s21 =	sand.u32 s24, s8;
	s20 =	simm.s32 @!p1 $0x18620;
	[tilespmem:s18+$0x3870 ss:$0x81] =	vst.msk $0xffff, v1;
	s25 =	smulhi.u32 $0x14F8B59, s19  }
0x4d: {  	v62 =	vld [tilespmem:s16+$0x20];
	s29 =	sshrl.u32 s9, $0x3;
	p2 =	sgt.s32 s28, $0x7F;
	s20 =	ssub.s32 s20, s21;
	[tilespmem:s18+$0x810 ss:$0x81] =	vst.msk $0xffff, v5  }
0x4e: {  	v63 =	vld [tilespmem:s16+$0xFFFFFFC0];
	[tilespmem:s18+$0x1020 ss:$0x81] =	vst.msk $0xffff, v58;
	s21 =	sadd.s32 $0xFFFE79E0, s20;
	s20 =	ssub.s32 $0x186A0, s20;
	s17 =	sshrl.u32 s25, $0x9  }
0x4f: {  	[tilespmem:s18+$0x1830 ss:$0x81] =	vst.msk $0xffff, v59;
	p1 =	sgt.s32 s21, $0x7F;
	s27 =	smul.u32 $0x186A0, s17;
	s17 =	ssub.s32 $0x80, s28  }
.Ltmp4:
0x50: {  	[tilespmem:s18+$0x2040 ss:$0x81] =	vst.msk $0xffff, v60;
	s20 =	simm.s32 @p1 $0x0;
	s17 =	simm.s32 @p2 $0x0;
	(pc) =	sbr.rel .LBB1_5-.Ltmp4, $4  }
0x51: {  	s30 =	sand.u32 $0xF, s29;
	[tilespmem:s18+$0x2850 ss:$0x81] =	vst.msk $0xffff, v61;
	s16 =	ssub.s32 s19, s27;
	s17 =	smul.u32 s17, s20  }
0x52: {  	[tilespmem:s18+$0x3060 ss:$0x81] =	vst.msk $0xffff, v62;
	s19 =	sadd.s32 s2, s30;
	s16 =	sshll.u32 s16, $0x4  }
0x53: {  	s31 =	sand.u32 $0x7, s9;
	[tilespmem:s18+$0x0 ss:$0x81] =	vst.msk $0xffff, v63;
	s17 =	sand.u32 $0x3FFFFFFF, s17;
	s16 =	sadd.s32 s16, s19  }
0x54: {  	[hbm4b:s16+s31] =	stream.linear.scatter [tilespmem:s15], [sflag:$0x2], s17, $0x20;
	[tilespmem:$0x10100] =	vst v63  }
.LBB1_6:
0x55: {  	_ =	sfence.sel $0x180000  }
0x56: {  	s2 =	simm.s32 $0x1;
	[bflag:$0x0] =	sbarrier.arrive $0xFFFF  }
0x57: {  	s31 =	simm.s32 $0x2;
	[sflag:s2] =	ssyncpa.u1 $0x1  }
0x58: {  	[sflag:s31] =	ssyncpa.u1 $0x1  }
0x59: {  	p0 =	sne.s32 s1, $0x0;
	_ =	strace $0x9000004A  }
0x5a: {  	s0 =	sadd.s32 @!p0 $0x100000, s0;
	[bflag:$0x2] =	sbarrier.arrive $0xFFFF  }
0x5b: {  	[sflag:s0] =	ssyncadd.tile.s32 @!p0 $0x1;
	_ =	shalt  }
.Lfunc_end1:
_tile_overlayer_lowered:
.L_overlay_start_2:
0x5c: {  	(tag) =	ssettag $0x2  }
0x5d: {  	s0 =	rddreg [dreg:$0x0];
	s2 =	stileid.u32  }
0x5e: {  	s1 =	rddreg [dreg:$0x1];
	p0 =	sne.s32 s2, $0x0  }
0x5f: {  	s3 =	rddreg [dreg:$0x2];
	[bflag:$0x3] =	sbarrier.arrive $0xFFFF;
	s2 =	simm.s32 @!p0 $0x1C01  }
0x60: {  	[timem:s3], [sflag:s2] =	dma.local @!p0 [hbm:s0], s1  }
0x61: {  	s0 =	simm.s32 @!p0 $0x1  }
0x62: {  	_ =	swait.ge @!p0 [sflag:s0], s1  }
0x63: {  	s1 =	ssub.s32 @!p0 $0x0, s1;
	[sflag:s0] =	ssyncset.done @!p0 $0x0  }
0x64: {  	[sflag:s0] =	ssyncadd.s32 @!p0 s1  }
0x65: {  	[bflag:$0x3] =	sbarrier.arrive $0xFFFF  }
0x66: {  	_ =	shalt  }

</sc_bundles>
